<compile_context>
chip_gen: v7x
topology: tpu7x:2x2x1
jax: 0.10.2.dev20260603
libtpu: 0.0.44.dev20260713+nightly
codegen_flags: <defaults>
</compile_context>

<pallas_src>
import functools

import jax
import jax.numpy as jnp
from jax import lax
from jax.experimental import pallas as pl
from jax.experimental.pallas import tpu as pltpu
from jax.experimental.pallas import tpu_sc as plsc

B = 16384
EMB = 32


def kernel(part_users, pos_items, neg_items, emb_users, emb_items):
    info = plsc.get_sparse_core_info()
    NC, NS = info.num_cores, info.num_subcores
    NW = NC * NS
    b_per_w = B // NW

    mesh = plsc.VectorSubcoreMesh(core_axis_name="c", subcore_axis_name="s")
    row_t = jax.ShapeDtypeStruct((B, EMB), jnp.float32)

    @functools.partial(
        pl.kernel,
        mesh=mesh,
        out_type=[row_t, row_t, row_t],
        compiler_params=pltpu.CompilerParams(use_tc_tiling_on_sc=False),
        scratch_types=[
            pltpu.VMEM((b_per_w,), jnp.int32),
            pltpu.VMEM((b_per_w,), jnp.int32),
            pltpu.VMEM((b_per_w,), jnp.int32),
            pltpu.VMEM((b_per_w, EMB), jnp.float32),
            pltpu.VMEM((b_per_w, EMB), jnp.float32),
            pltpu.VMEM((b_per_w, EMB), jnp.float32),
            pltpu.SemaphoreType.DMA,
            pltpu.SemaphoreType.DMA,
            pltpu.SemaphoreType.DMA,
        ],
    )
    def gather3(pu_hbm, pi_hbm, ni_hbm, eu_hbm, ei_hbm,
                out_u, out_p, out_n,
                idx_u, idx_p, idx_n,
                rows_u, rows_p, rows_n,
                sem_u, sem_p, sem_n):
        wid = lax.axis_index("s") * NC + lax.axis_index("c")
        base = wid * b_per_w
        pltpu.sync_copy(pu_hbm.at[pl.ds(base, b_per_w)], idx_u)
        pltpu.sync_copy(pi_hbm.at[pl.ds(base, b_per_w)], idx_p)
        pltpu.sync_copy(ni_hbm.at[pl.ds(base, b_per_w)], idx_n)
        cu = pltpu.async_copy(eu_hbm.at[idx_u], rows_u, sem_u)
        cp = pltpu.async_copy(ei_hbm.at[idx_p], rows_p, sem_p)
        cn = pltpu.async_copy(ei_hbm.at[idx_n], rows_n, sem_n)
        cu.wait()
        pltpu.sync_copy(rows_u, out_u.at[pl.ds(base, b_per_w)])
        cp.wait()
        pltpu.sync_copy(rows_p, out_p.at[pl.ds(base, b_per_w)])
        cn.wait()
        pltpu.sync_copy(rows_n, out_n.at[pl.ds(base, b_per_w)])

    out = gather3(part_users, pos_items, neg_items, emb_users, emb_items)
    return tuple(out)

# --- scband reference (transcript-rebuilt; emitter-appended) ---
"""Pipeline reference for scband-base-net-59725815218489 (READ-ONLY COPY).

The authoritative reference and input builder live on the scoring server;
editing this copy changes nothing except your own understanding.
"""

import jax, jax.numpy as jnp
import numpy as np

N_USER = 1000000
N_ITEM = 1000000
EMB = 32
B = 16384

def setup_inputs(seed: int = 0) -> dict:
    key = jax.random.key(seed)
    k1, k2, k3, k4, k5 = jax.random.split(key, 5)
    part_users = jax.random.randint(k1, (B,), 0, N_USER, dtype=jnp.int32)
    pos_items = jax.random.randint(k2, (B,), 0, N_ITEM, dtype=jnp.int32)
    neg_items = jax.random.randint(k3, (B,), 0, N_ITEM, dtype=jnp.int32)
    emb_users = jax.random.normal(k4, (N_USER, EMB), dtype=jnp.float32) * 0.1
    emb_items = jax.random.normal(k5, (N_ITEM, EMB), dtype=jnp.float32) * 0.1
    return {
        "part_users": part_users,
        "pos_items": pos_items,
        "neg_items": neg_items,
        "emb_users": emb_users,
        "emb_items": emb_items,
    }

def reference(part_users, pos_items, neg_items, emb_users, emb_items):
    # Faithful translation of BaseNet.get_emb_ini: three embedding gathers
    emb_part_users_ini = jnp.take(emb_users, part_users, axis=0)
    emb_pos_ini = jnp.take(emb_items, pos_items, axis=0)
    emb_neg_ini = jnp.take(emb_items, neg_items, axis=0)
    return (emb_part_users_ini, emb_pos_ini, emb_neg_ini)

if __name__ == "__main__":
    import jax
    _d = setup_inputs()
    print(jax.jit(kernel)(*tuple(_d.values())))

</pallas_src>

<mosaic_0001>
#map = affine_map<(d0, d1) -> (0)>
#map1 = affine_map<(d0, d1) -> (0, 0)>
module attributes {stable_mosaic.version = 14 : i64} {
  func.func @gather3(%arg0: i32, %arg1: i32, %arg2: memref<16384xi32, #tpu.memory_space<hbm>>, %arg3: memref<16384xi32, #tpu.memory_space<hbm>>, %arg4: memref<16384xi32, #tpu.memory_space<hbm>>, %arg5: memref<1000000x32xf32, #tpu.memory_space<hbm>>, %arg6: memref<1000000x32xf32, #tpu.memory_space<hbm>>, %arg7: memref<16384x32xf32, #tpu.memory_space<hbm>>, %arg8: memref<16384x32xf32, #tpu.memory_space<hbm>>, %arg9: memref<16384x32xf32, #tpu.memory_space<hbm>>, %arg10: memref<512xi32, #tpu.memory_space<vmem>>, %arg11: memref<512xi32, #tpu.memory_space<vmem>>, %arg12: memref<512xi32, #tpu.memory_space<vmem>>, %arg13: memref<512x32xf32, #tpu.memory_space<vmem>>, %arg14: memref<512x32xf32, #tpu.memory_space<vmem>>, %arg15: memref<512x32xf32, #tpu.memory_space<vmem>>, %arg16: memref<!tpu.dma_semaphore, #tpu.memory_space<semaphore_mem>>, %arg17: memref<!tpu.dma_semaphore, #tpu.memory_space<semaphore_mem>>, %arg18: memref<!tpu.dma_semaphore, #tpu.memory_space<semaphore_mem>>) attributes {dimension_semantics = [#tpu.dimension_semantics<core_parallel>, #tpu.dimension_semantics<subcore_parallel>], iteration_bounds = array<i64: 2, 16>, scalar_prefetch = 0 : i64, scratch_operands = 9 : i64, tpu.core_type = #tpu.core_type<sc_vector_subcore>, window_params = [{transform_indices = #map}, {transform_indices = #map}, {transform_indices = #map}, {transform_indices = #map1}, {transform_indices = #map1}, {transform_indices = #map1}, {transform_indices = #map1}, {transform_indices = #map1}]} {
    %mul3A = arith.constant 2 : i32
    %mul3A_0 = arith.muli %arg1, %mul3A : i32
    %add3A = arith.addi %mul3A_0, %arg0 : i32
    %mul3A_1 = arith.constant 512 : i32
    %mul3A_2 = arith.muli %add3A, %mul3A_1 : i32
    "tpu.region"() ({
      %run_scoped3A = tpu.sem_alloc : memref<!tpu.dma_semaphore, #tpu.memory_space<semaphore_mem>>
      %dma_start3A_19 = tpu.memref_slice %arg2[%mul3A_2] : memref<16384xi32, #tpu.memory_space<hbm>> -> memref<512xi32, #tpu.memory_space<hbm>>
      %dma_start3A_20 = tpu.memref_slice %arg2[%mul3A_2] : memref<16384xi32, #tpu.memory_space<hbm>> -> memref<512xi32, #tpu.memory_space<hbm>>
      tpu.enqueue_dma source(%dma_start3A_20 : memref<512xi32, #tpu.memory_space<hbm>>) target(%arg10 : memref<512xi32, #tpu.memory_space<vmem>>) target_semaphore(%run_scoped3A : memref<!tpu.dma_semaphore, #tpu.memory_space<semaphore_mem>>)
      %dma_wait3A_21 = tpu.memref_slice %arg2[%mul3A_2] : memref<16384xi32, #tpu.memory_space<hbm>> -> memref<512xi32, #tpu.memory_space<hbm>>
      %dma_wait3A_22 = tpu.memref_slice %arg2[%mul3A_2] : memref<16384xi32, #tpu.memory_space<hbm>> -> memref<512xi32, #tpu.memory_space<hbm>>
      tpu.wait_dma2 semaphore(%run_scoped3A : memref<!tpu.dma_semaphore, #tpu.memory_space<semaphore_mem>>) src(%dma_wait3A_22 : memref<512xi32, #tpu.memory_space<hbm>>) dst(%arg10 : memref<512xi32, #tpu.memory_space<vmem>>)
      tpu.yield
    }) : () -> ()
    "tpu.region"() ({
      %run_scoped3A = tpu.sem_alloc : memref<!tpu.dma_semaphore, #tpu.memory_space<semaphore_mem>>
      %dma_start3A_19 = tpu.memref_slice %arg3[%mul3A_2] : memref<16384xi32, #tpu.memory_space<hbm>> -> memref<512xi32, #tpu.memory_space<hbm>>
      %dma_start3A_20 = tpu.memref_slice %arg3[%mul3A_2] : memref<16384xi32, #tpu.memory_space<hbm>> -> memref<512xi32, #tpu.memory_space<hbm>>
      tpu.enqueue_dma source(%dma_start3A_20 : memref<512xi32, #tpu.memory_space<hbm>>) target(%arg11 : memref<512xi32, #tpu.memory_space<vmem>>) target_semaphore(%run_scoped3A : memref<!tpu.dma_semaphore, #tpu.memory_space<semaphore_mem>>)
      %dma_wait3A_21 = tpu.memref_slice %arg3[%mul3A_2] : memref<16384xi32, #tpu.memory_space<hbm>> -> memref<512xi32, #tpu.memory_space<hbm>>
      %dma_wait3A_22 = tpu.memref_slice %arg3[%mul3A_2] : memref<16384xi32, #tpu.memory_space<hbm>> -> memref<512xi32, #tpu.memory_space<hbm>>
      tpu.wait_dma2 semaphore(%run_scoped3A : memref<!tpu.dma_semaphore, #tpu.memory_space<semaphore_mem>>) src(%dma_wait3A_22 : memref<512xi32, #tpu.memory_space<hbm>>) dst(%arg11 : memref<512xi32, #tpu.memory_space<vmem>>)
      tpu.yield
    }) : () -> ()
    "tpu.region"() ({
      %run_scoped3A = tpu.sem_alloc : memref<!tpu.dma_semaphore, #tpu.memory_space<semaphore_mem>>
      %dma_start3A_19 = tpu.memref_slice %arg4[%mul3A_2] : memref<16384xi32, #tpu.memory_space<hbm>> -> memref<512xi32, #tpu.memory_space<hbm>>
      %dma_start3A_20 = tpu.memref_slice %arg4[%mul3A_2] : memref<16384xi32, #tpu.memory_space<hbm>> -> memref<512xi32, #tpu.memory_space<hbm>>
      tpu.enqueue_dma source(%dma_start3A_20 : memref<512xi32, #tpu.memory_space<hbm>>) target(%arg12 : memref<512xi32, #tpu.memory_space<vmem>>) target_semaphore(%run_scoped3A : memref<!tpu.dma_semaphore, #tpu.memory_space<semaphore_mem>>)
      %dma_wait3A_21 = tpu.memref_slice %arg4[%mul3A_2] : memref<16384xi32, #tpu.memory_space<hbm>> -> memref<512xi32, #tpu.memory_space<hbm>>
      %dma_wait3A_22 = tpu.memref_slice %arg4[%mul3A_2] : memref<16384xi32, #tpu.memory_space<hbm>> -> memref<512xi32, #tpu.memory_space<hbm>>
      tpu.wait_dma2 semaphore(%run_scoped3A : memref<!tpu.dma_semaphore, #tpu.memory_space<semaphore_mem>>) src(%dma_wait3A_22 : memref<512xi32, #tpu.memory_space<hbm>>) dst(%arg12 : memref<512xi32, #tpu.memory_space<vmem>>)
      tpu.yield
    }) : () -> ()
    %dma_start3A = arith.constant 0 : i32
    %dma_start3A_3 = arith.constant 0 : i32
    %dma_start3A_4 = tpu.memref_slice %arg5[%dma_start3A, %dma_start3A_3] : memref<1000000x32xf32, #tpu.memory_space<hbm>> -> memref<1000000x32xf32, #tpu.memory_space<hbm>>
    tpu.enqueue_indirect_dma source(%dma_start3A_4 : memref<1000000x32xf32, #tpu.memory_space<hbm>>) target(%arg13 : memref<512x32xf32, #tpu.memory_space<vmem>>) offsets(%arg10 : memref<512xi32, #tpu.memory_space<vmem>>) semaphore(%arg16 : memref<!tpu.dma_semaphore, #tpu.memory_space<semaphore_mem>>)
    %dma_start3A_5 = arith.constant 0 : i32
    %dma_start3A_6 = arith.constant 0 : i32
    %dma_start3A_7 = tpu.memref_slice %arg6[%dma_start3A_5, %dma_start3A_6] : memref<1000000x32xf32, #tpu.memory_space<hbm>> -> memref<1000000x32xf32, #tpu.memory_space<hbm>>
    tpu.enqueue_indirect_dma source(%dma_start3A_7 : memref<1000000x32xf32, #tpu.memory_space<hbm>>) target(%arg14 : memref<512x32xf32, #tpu.memory_space<vmem>>) offsets(%arg11 : memref<512xi32, #tpu.memory_space<vmem>>) semaphore(%arg17 : memref<!tpu.dma_semaphore, #tpu.memory_space<semaphore_mem>>)
    %dma_start3A_8 = arith.constant 0 : i32
    %dma_start3A_9 = arith.constant 0 : i32
    %dma_start3A_10 = tpu.memref_slice %arg6[%dma_start3A_8, %dma_start3A_9] : memref<1000000x32xf32, #tpu.memory_space<hbm>> -> memref<1000000x32xf32, #tpu.memory_space<hbm>>
    tpu.enqueue_indirect_dma source(%dma_start3A_10 : memref<1000000x32xf32, #tpu.memory_space<hbm>>) target(%arg15 : memref<512x32xf32, #tpu.memory_space<vmem>>) offsets(%arg12 : memref<512xi32, #tpu.memory_space<vmem>>) semaphore(%arg18 : memref<!tpu.dma_semaphore, #tpu.memory_space<semaphore_mem>>)
    %dma_wait3A = arith.constant 0 : i32
    %dma_wait3A_11 = arith.constant 0 : i32
    %dma_wait3A_12 = tpu.memref_slice %arg5[%dma_wait3A, %dma_wait3A_11] : memref<1000000x32xf32, #tpu.memory_space<hbm>> -> memref<1000000x32xf32, #tpu.memory_space<hbm>>
    tpu.wait_indirect_dma semaphore(%arg16 : memref<!tpu.dma_semaphore, #tpu.memory_space<semaphore_mem>>) src(%dma_wait3A_12 : memref<1000000x32xf32, #tpu.memory_space<hbm>>) dst(%arg13 : memref<512x32xf32, #tpu.memory_space<vmem>>)
    "tpu.region"() ({
      %run_scoped3A = tpu.sem_alloc : memref<!tpu.dma_semaphore, #tpu.memory_space<semaphore_mem>>
      %dma_start3A_19 = arith.constant 0 : i32
      %dma_start3A_20 = tpu.memref_slice %arg7[%mul3A_2, %dma_start3A_19] : memref<16384x32xf32, #tpu.memory_space<hbm>> -> memref<512x32xf32, #tpu.memory_space<hbm>>
      %dma_start3A_21 = arith.constant 0 : i32
      %dma_start3A_22 = tpu.memref_slice %arg7[%mul3A_2, %dma_start3A_21] : memref<16384x32xf32, #tpu.memory_space<hbm>> -> memref<512x32xf32, #tpu.memory_space<hbm>>
      tpu.enqueue_dma source(%arg13 : memref<512x32xf32, #tpu.memory_space<vmem>>) target(%dma_start3A_22 : memref<512x32xf32, #tpu.memory_space<hbm>>) target_semaphore(%run_scoped3A : memref<!tpu.dma_semaphore, #tpu.memory_space<semaphore_mem>>)
      %dma_wait3A_23 = arith.constant 0 : i32
      %dma_wait3A_24 = tpu.memref_slice %arg7[%mul3A_2, %dma_wait3A_23] : memref<16384x32xf32, #tpu.memory_space<hbm>> -> memref<512x32xf32, #tpu.memory_space<hbm>>
      %dma_wait3A_25 = arith.constant 0 : i32
      %dma_wait3A_26 = tpu.memref_slice %arg7[%mul3A_2, %dma_wait3A_25] : memref<16384x32xf32, #tpu.memory_space<hbm>> -> memref<512x32xf32, #tpu.memory_space<hbm>>
      tpu.wait_dma2 semaphore(%run_scoped3A : memref<!tpu.dma_semaphore, #tpu.memory_space<semaphore_mem>>) src(%arg13 : memref<512x32xf32, #tpu.memory_space<vmem>>) dst(%dma_wait3A_26 : memref<512x32xf32, #tpu.memory_space<hbm>>)
      tpu.yield
    }) : () -> ()
    %dma_wait3A_13 = arith.constant 0 : i32
    %dma_wait3A_14 = arith.constant 0 : i32
    %dma_wait3A_15 = tpu.memref_slice %arg6[%dma_wait3A_13, %dma_wait3A_14] : memref<1000000x32xf32, #tpu.memory_space<hbm>> -> memref<1000000x32xf32, #tpu.memory_space<hbm>>
    tpu.wait_indirect_dma semaphore(%arg17 : memref<!tpu.dma_semaphore, #tpu.memory_space<semaphore_mem>>) src(%dma_wait3A_15 : memref<1000000x32xf32, #tpu.memory_space<hbm>>) dst(%arg14 : memref<512x32xf32, #tpu.memory_space<vmem>>)
    "tpu.region"() ({
      %run_scoped3A = tpu.sem_alloc : memref<!tpu.dma_semaphore, #tpu.memory_space<semaphore_mem>>
      %dma_start3A_19 = arith.constant 0 : i32
      %dma_start3A_20 = tpu.memref_slice %arg8[%mul3A_2, %dma_start3A_19] : memref<16384x32xf32, #tpu.memory_space<hbm>> -> memref<512x32xf32, #tpu.memory_space<hbm>>
      %dma_start3A_21 = arith.constant 0 : i32
      %dma_start3A_22 = tpu.memref_slice %arg8[%mul3A_2, %dma_start3A_21] : memref<16384x32xf32, #tpu.memory_space<hbm>> -> memref<512x32xf32, #tpu.memory_space<hbm>>
      tpu.enqueue_dma source(%arg14 : memref<512x32xf32, #tpu.memory_space<vmem>>) target(%dma_start3A_22 : memref<512x32xf32, #tpu.memory_space<hbm>>) target_semaphore(%run_scoped3A : memref<!tpu.dma_semaphore, #tpu.memory_space<semaphore_mem>>)
      %dma_wait3A_23 = arith.constant 0 : i32
      %dma_wait3A_24 = tpu.memref_slice %arg8[%mul3A_2, %dma_wait3A_23] : memref<16384x32xf32, #tpu.memory_space<hbm>> -> memref<512x32xf32, #tpu.memory_space<hbm>>
      %dma_wait3A_25 = arith.constant 0 : i32
      %dma_wait3A_26 = tpu.memref_slice %arg8[%mul3A_2, %dma_wait3A_25] : memref<16384x32xf32, #tpu.memory_space<hbm>> -> memref<512x32xf32, #tpu.memory_space<hbm>>
      tpu.wait_dma2 semaphore(%run_scoped3A : memref<!tpu.dma_semaphore, #tpu.memory_space<semaphore_mem>>) src(%arg14 : memref<512x32xf32, #tpu.memory_space<vmem>>) dst(%dma_wait3A_26 : memref<512x32xf32, #tpu.memory_space<hbm>>)
      tpu.yield
    }) : () -> ()
    %dma_wait3A_16 = arith.constant 0 : i32
    %dma_wait3A_17 = arith.constant 0 : i32
    %dma_wait3A_18 = tpu.memref_slice %arg6[%dma_wait3A_16, %dma_wait3A_17] : memref<1000000x32xf32, #tpu.memory_space<hbm>> -> memref<1000000x32xf32, #tpu.memory_space<hbm>>
    tpu.wait_indirect_dma semaphore(%arg18 : memref<!tpu.dma_semaphore, #tpu.memory_space<semaphore_mem>>) src(%dma_wait3A_18 : memref<1000000x32xf32, #tpu.memory_space<hbm>>) dst(%arg15 : memref<512x32xf32, #tpu.memory_space<vmem>>)
    "tpu.region"() ({
      %run_scoped3A = tpu.sem_alloc : memref<!tpu.dma_semaphore, #tpu.memory_space<semaphore_mem>>
      %dma_start3A_19 = arith.constant 0 : i32
      %dma_start3A_20 = tpu.memref_slice %arg9[%mul3A_2, %dma_start3A_19] : memref<16384x32xf32, #tpu.memory_space<hbm>> -> memref<512x32xf32, #tpu.memory_space<hbm>>
      %dma_start3A_21 = arith.constant 0 : i32
      %dma_start3A_22 = tpu.memref_slice %arg9[%mul3A_2, %dma_start3A_21] : memref<16384x32xf32, #tpu.memory_space<hbm>> -> memref<512x32xf32, #tpu.memory_space<hbm>>
      tpu.enqueue_dma source(%arg15 : memref<512x32xf32, #tpu.memory_space<vmem>>) target(%dma_start3A_22 : memref<512x32xf32, #tpu.memory_space<hbm>>) target_semaphore(%run_scoped3A : memref<!tpu.dma_semaphore, #tpu.memory_space<semaphore_mem>>)
      %dma_wait3A_23 = arith.constant 0 : i32
      %dma_wait3A_24 = tpu.memref_slice %arg9[%mul3A_2, %dma_wait3A_23] : memref<16384x32xf32, #tpu.memory_space<hbm>> -> memref<512x32xf32, #tpu.memory_space<hbm>>
      %dma_wait3A_25 = arith.constant 0 : i32
      %dma_wait3A_26 = tpu.memref_slice %arg9[%mul3A_2, %dma_wait3A_25] : memref<16384x32xf32, #tpu.memory_space<hbm>> -> memref<512x32xf32, #tpu.memory_space<hbm>>
      tpu.wait_dma2 semaphore(%run_scoped3A : memref<!tpu.dma_semaphore, #tpu.memory_space<semaphore_mem>>) src(%arg15 : memref<512x32xf32, #tpu.memory_space<vmem>>) dst(%dma_wait3A_26 : memref<512x32xf32, #tpu.memory_space<hbm>>)
      tpu.yield
    }) : () -> ()
    return
  }
}

</mosaic_0001>

<sc_bundles>
// kernel: kernel.3.cloned.1.call-start
scs
__scs_entry_jumppad:
0x0: {  	(pc) =	sbr.rel $0x88, $3  }
0x1: {  	(tag) =	ssettag $0x0;
	lr =	simm.s32 $0x1  }
0x2: {  	[smem:$0x3F9C] =	sst lr;
	_ =	strace $0xD0000000  }
0x3: {  	_ = 	snop  }
0x4: {  	_ = 	snop  }
0x5: {  	_ = 	snop  }
0x6: {  	_ = 	snop  }
0x7: {  	_ = 	snop  }
__scs_overlays_trampoline_lowered:
0x8: {  	[smem:$0x3FAB] =	sst s0  }
0x9: {  	[smem:$0x3FAC] =	sst s1  }
0xa: {  	[smem:$0x3FAD] =	sst s2  }
0xb: {  	[smem:$0x3FAE] =	sst s3  }
0xc: {  	[smem:$0x3FAF] =	sst s4  }
0xd: {  	[smem:$0x3FB0] =	sst s5  }
0xe: {  	[smem:$0x3FB1] =	sst s6  }
0xf: {  	[smem:$0x3FB2] =	sst s7  }
0x10: {  	[smem:$0x3FB3] =	sst s8  }
0x11: {  	[smem:$0x3FB4] =	sst s9;
	s0 =	simm.s32 @!p0 $0x0  }
0x12: {  	s1 =	sld [smem:$0x3F9A];
	s0 =	simm.s32 @p0 $0x1  }
0x13: {  	[smem:$0x3FB5] =	sst s0;
	s0 =	simm.s32 @!p1 $0x0  }
0x14: {  	s2 =	sld [smem:$0x3F99];
	s0 =	simm.s32 @p1 $0x1  }
0x15: {  	[smem:$0x3FB6] =	sst s0;
	s0 =	simm.s32 @!p2 $0x0  }
0x16: {  	s3 =	sld [smem:$0x3FDB];
	s0 =	simm.s32 @p2 $0x1  }
0x17: {  	s4 =	simm.s32 $0x1BF5;
	[smem:$0x3FB8] =	sst s0  }
0x18: {  	s0 =	sld [smem:$0x3F9B];
	_ =	swait.ge [sflag:s4], $0x0  }
0x19: {  	s7 =	sld [smem:$0x3F9C]  }
0x1a: {  	s8 =	sadd.s32 $0xFFFFE003, lr  }
0x1b: {  	s9 =	sadd.s32 $0xFFFFFEF7, lr;
	s5 =	simm.s32 $0xFFFFFFFF;
	p2 =	slt.u32 s8, $0xFFFFF086  }
0x1c: {  	p1 =	slt.u32 s9, $0xF7A;
	s5 =	simm.s32 @!p2 $0x0  }
0x1d: {  	s5 =	simm.s32 @p1 $0x1;
	p0 =	seq.s32 s7, s2  }
0x1e: {  	s7 =	smul.u32 @!p0 $0xF7A, s2;
	p2 =	seq.s32 @!p0 s5, $0x0  }
0x1f: {  	s9 =	smul.u32 $0xF7A, s1;
	s8 =	simm.s32 @!p0 $0x1BF5;
	p2 =	por !p2, p0  }
0x20: {  	[sflag:s8] =	ssyncset.s32 @!p0 $0xFFFFF086;
	s6 =	sadd.s32 @!p0 s3, s7;
	s7 =	simm.s32 @!p0 $0x108  }
0x21: {  	s3 =	sadd.s32 s3, s9;
	s6 =	sadd.s32 @!p0 $0x88, s6;
	s7 =	simm.s32 @p2 $0x1082  }
0x22: {  	[simem:s7], [sflag:s8] =	dma.local @!p0 [hbm:s6], $0xF7A  }
0x23: {  	s9 =	sor.u32 $0xD0000000, s2;
	s6 =	simm.s32 $0x108;
	_ =	swait.ge @!p0 [sflag:s8], $0x0  }
0x24: {  	s3 =	sadd.s32 $0x88, s3;
	s6 =	simm.s32 @!p1 $0x1082;
	[sflag:s4] =	ssyncset.s32 $0xFFFFF086  }
0x25: {  	[simem:s6], [sflag:s4] =	dma.local [hbm:s3], $0xF7A  }
0x26: {  	[smem:$0x3F9C] =	sst s1;
	(tag) =	ssettag s2;
	_ =	strace s9  }
0x27: {  	s1 =	sld [smem:$0x3FAC]  }
0x28: {  	s2 =	sld [smem:$0x3FAD]  }
0x29: {  	s4 =	sld [smem:$0x3FAF]  }
0x2a: {  	p0 =	seq.s32 s5, $0x0;
	s5 =	sld [smem:$0x3FB0]  }
0x2b: {  	s6 =	sld [smem:$0x3FB1]  }
0x2c: {  	s7 =	sld [smem:$0x3FB2]  }
0x2d: {  	s3 =	simm.s32 $0x108;
	s8 =	sld [smem:$0x3FB3]  }
0x2e: {  	s3 =	simm.s32 @!p0 $0x1082;
	s9 =	sld [smem:$0x3FB4]  }
0x2f: {  	lr =	sadd.s32 s0, s3;
	s0 =	sld [smem:$0x3FAB]  }
0x30: {  	s3 =	sld [smem:$0x3FAE]  }
0x31: {  	[smem:$0x3FB7] =	sst s10  }
0x32: {  	s10 =	sld [smem:$0x3FB5];
	_ =	sdelay $0x3  }
0x33: {  	p0 =	seq.s32 s10, $0x1;
	s10 =	sld [smem:$0x3FB7];
	_ =	sdelay $0x3  }
0x34: {  	[smem:$0x3FB7] =	sst s10  }
0x35: {  	s10 =	sld [smem:$0x3FB6];
	_ =	sdelay $0x3  }
0x36: {  	p1 =	seq.s32 s10, $0x1;
	s10 =	sld [smem:$0x3FB7];
	_ =	sdelay $0x3  }
0x37: {  	[smem:$0x3FB7] =	sst s10  }
0x38: {  	s10 =	sld [smem:$0x3FB8]  }
0x39: {  	_ = 	snop;
	(pc) =	sbr.ind lr, $3  }
0x3a: {  	_ = 	snop  }
0x3b: {  	_ = 	snop  }
0x3c: {  	p2 =	seq.s32 s10, $0x1;
	s10 =	sld [smem:$0x3FB7]  }
0x3d: {  	_ =	shalt  }
0x3e: {  	_ =	shalt  }
0x3f: {  	_ =	shalt  }
0x40: {  	_ =	shalt  }
0x41: {  	_ =	shalt  }
0x42: {  	_ =	shalt  }
0x43: {  	_ =	shalt  }
0x44: {  	_ =	shalt  }
0x45: {  	_ =	shalt  }
0x46: {  	_ =	shalt  }
0x47: {  	_ =	shalt  }
0x48: {  	_ =	shalt  }
0x49: {  	_ =	shalt  }
0x4a: {  	_ =	shalt  }
0x4b: {  	_ =	shalt  }
0x4c: {  	_ =	shalt  }
0x4d: {  	_ =	shalt  }
0x4e: {  	_ =	shalt  }
0x4f: {  	_ =	shalt  }
0x50: {  	_ =	shalt  }
0x51: {  	_ =	shalt  }
0x52: {  	_ =	shalt  }
0x53: {  	_ =	shalt  }
0x54: {  	_ =	shalt  }
0x55: {  	_ =	shalt  }
0x56: {  	_ =	shalt  }
0x57: {  	_ =	shalt  }
0x58: {  	_ =	shalt  }
0x59: {  	_ =	shalt  }
0x5a: {  	_ =	shalt  }
0x5b: {  	_ =	shalt  }
0x5c: {  	_ =	shalt  }
0x5d: {  	_ =	shalt  }
0x5e: {  	_ =	shalt  }
0x5f: {  	_ =	shalt  }
0x60: {  	_ =	shalt  }
0x61: {  	_ =	shalt  }
0x62: {  	_ =	shalt  }
0x63: {  	_ =	shalt  }
0x64: {  	_ =	shalt  }
0x65: {  	_ =	shalt  }
0x66: {  	_ =	shalt  }
0x67: {  	_ =	shalt  }
0x68: {  	_ =	shalt  }
0x69: {  	_ =	shalt  }
0x6a: {  	_ =	shalt  }
0x6b: {  	_ =	shalt  }
0x6c: {  	_ =	shalt  }
0x6d: {  	_ =	shalt  }
0x6e: {  	_ =	shalt  }
0x6f: {  	_ =	shalt  }
0x70: {  	_ =	shalt  }
0x71: {  	_ =	shalt  }
0x72: {  	_ =	shalt  }
0x73: {  	_ =	shalt  }
0x74: {  	_ =	shalt  }
0x75: {  	_ =	shalt  }
0x76: {  	_ =	shalt  }
0x77: {  	_ =	shalt  }
0x78: {  	_ =	shalt  }
0x79: {  	_ =	shalt  }
0x7a: {  	_ =	shalt  }
0x7b: {  	_ =	shalt  }
0x7c: {  	_ =	shalt  }
0x7d: {  	_ =	shalt  }
0x7e: {  	_ =	shalt  }
0x7f: {  	_ =	shalt  }
0x80: {  	_ =	shalt  }
0x81: {  	_ =	shalt  }
0x82: {  	_ =	shalt  }
0x83: {  	_ =	shalt  }
0x84: {  	_ =	shalt  }
0x85: {  	_ =	shalt  }
0x86: {  	_ =	shalt  }
0x87: {  	_ =	shalt  }
.Lfunc_end0:
.L_simem_size_0:
called_computation_lowered:
.L_overlay_start_0:
0x88: {  	s2 =	sld [smem:$0x3FD9]  }
0x89: {  	s3 =	sld [smem:$0x3FFE];
	_ =	sdelay $0x1  }
0x8a: {  	s1 =	srdreg.scid  }
0x8b: {  	s0 =	sand.u32 $0x1, s1  }
0x8c: {  	s14 =	sshll.u32 s0, $0xA;
	s2 =	sadd.s32 s3, s2  }
0x8d: {  	s2 =	sadd.s32 s2, s14  }
0x8e: {  	[smem:$0x3FC3] =	sst s2  }
0x8f: {  	_ = 	snop  }
0x90: {  	s2 =	sld [smem:$0x3FD0]  }
0x91: {  	s15 =	sld [smem:$0x3FC9]  }
0x92: {  	s4 =	sld [smem:$0x3FC8]  }
0x93: {  	s6 =	simm.s32 $0xA;
	s7 =	simm.s32 $0x10;
	s5 =	sld [smem:$0x3FC7]  }
0x94: {  	[smem:s7], [sflag:s6] =	dma.local [hbm:s2], $0x1  }
0x95: {  	_ =	swait.eq [sflag:s6], $0x1  }
0x96: {  	[sflag:s6] =	ssyncset.done $0x0  }
0x97: {  	s16 =	sld [smem:$0x11];
	[sflag:s6] =	ssyncadd.s32 $0xFFFFFFFF  }
0x98: {  	s17 =	sld [smem:$0x12];
	(tm) =	ssettm $0x1  }
0x99: {  	s18 =	sld [smem:$0x3FFB];
	_ =	sdelay $0x3  }
0x9a: {  	_ =	strace s18  }
0x9b: {  	s7 =	sld [smem:$0x3FFC];
	_ =	sdelay $0x3  }
0x9c: {  	_ =	strace s7  }
0x9d: {  	s7 =	sld [smem:$0x3FFD];
	_ =	sdelay $0x3  }
0x9e: {  	_ =	strace s7  }
0x9f: {  	_ =	strace $0x8FFFFFFF  }
0xa0: {  	s19 =	sld [smem:$0x3FDB];
	_ =	sdelay $0x1  }
0xa1: {  	s8 =	simm.s32 $_scs_section_size  }
0xa2: {  	s9 =	simm.s32 $_size__tile_overlayer_lowered;
	s10 =	simm.s32 $_tile_overlayer_lowered  }
0xa3: {  	s22 =	simm.s32 $0x1BFF;
	s21 =	sshll.u32 s10, $0x1;
	s7 =	sadd.s32 s8, s19  }
0xa4: {  	s11 =	simm.s32 $0x0;
	s20 =	sshll.u32 s9, $0x1;
	s9 =	sadd.s32 s21, s7  }
0xa5: {  	[timem:s11], [sflag:s22] =	dma.local [hbm:s9], s20  }
0xa6: {  	_ =	swait.ge [sflag:s22], s20  }
0xa7: {  	s8 =	ssub.s32 $0x0, s20;
	[sflag:s22] =	ssyncset.done $0x0  }
0xa8: {  	[sflag:s22] =	ssyncadd.s32 s8;
	_ =	sdelay $0x1  }
0xa9: {  	s23 =	simm.s32 $0x1B8B  }
0xaa: {  	_ =	swait.ge [sflag:s23], $0x1  }
0xab: {  	[sflag:s23] =	ssyncset.done $0x0  }
0xac: {  	s25 =	simm.s32 $0x1B8E;
	s24 =	sld [smem:$0x3FFE];
	[sflag:s23] =	ssyncadd.s32 $0xFFFFFFFF  }
0xad: {  	s26 =	simm.s32 $execute0_lowered;
	[smem:$0x3FD2] =	sst s25  }
0xae: {  	s9 =	sshll.u32 s26, $0x1;
	_ =	strace $0x80000046;
	[dreg:$0x1] =	wrdreg $0xFFFFFFFF  }
0xaf: {  	s28 =	simm.s32 $_size_execute0_lowered;
	s7 =	sadd.s32 s7, s9;
	[dreg:$0x0] =	wrdreg $0x0  }
0xb0: {  	s9 =	sshll.u32 s28, $0x1;
	[dreg:$0x2] =	wrdreg s7  }
0xb1: {  	[dreg:$0x3] =	wrdreg s9  }
0xb2: {  	[dreg:$0x4] =	wrdreg $0xC0  }
0xb3: {  	_ =	task [dreg:s11], $0x5FFFF  }
0xb4: {  	[dreg:$0x1] =	wrdreg $0xFFFFFFFF  }
0xb5: {  	[dreg:$0x0] =	wrdreg $0x60  }
0xb6: {  	[dreg:$0x2] =	wrdreg s15  }
0xb7: {  	[dreg:$0x3] =	wrdreg s4  }
0xb8: {  	[dreg:$0x4] =	wrdreg s5  }
0xb9: {  	[dreg:$0x5] =	wrdreg s24  }
0xba: {  	[dreg:$0x6] =	wrdreg s17  }
0xbb: {  	[dreg:$0x7] =	wrdreg s16  }
0xbc: {  	[dreg:$0x8] =	wrdreg $0x9  }
0xbd: {  	_ =	task.clear_ibuf [dreg:s11], $0x9FFFF;
	_ =	strace $0x90000046  }
0xbe: {  	s29 =	simm.s32 $0x9;
	_ =	strace $0x80000048  }
0xbf: {  	_ =	swait.ge [sflag:s29], $0x1  }
0xc0: {  	[sflag:s29] =	ssyncadd.s32 $0xFFFFFFFF  }
0xc1: {  	_ =	strace $0x90000048  }
0xc2: {  	_ =	sfence  }
0xc3: {  	s30 =	sld [smem:$0x0];
	_ =	sdelay $0x2  }
0xc4: {  	s31 =	sshll.u32 s1, $0xD;
	s1 =	sshrl.u32 s1, $0x2  }
0xc5: {  	s3 =	sand.u32 $0x4000, s31;
	s1 =	sadd.s32 s1, s30  }
0xc6: {  	s0 =	sor.u32 s3, s0;
	s1 =	sshll.u32 s1, $0x11  }
0xc7: {  	s0 =	sor.u32 s1, s0  }
0xc8: {  	s0 =	sadd.s32 $0x8F2B, s0  }
0xc9: {  	[sflag:s0] =	ssyncadd.remote.s32 $0x1  }
0xca: {  	_ =	sfence.sel $0xFFFF  }
0xcb: {  	[dreg:$0x0] =	wrdreg $0xFFFFFFFF;
	(pc) =	sbr.abs _section_cstart, $3  }
0xcc: {  	[dreg:$0x1] =	wrdreg $0xFFFFFFFF  }
0xcd: {  	_ =	task.clear_ibuf [dreg:s11], $0x2FFFF;
	_ =	strace $0x9FFFFFFF  }
0xce: {  	(tm) =	ssettm $0x7FFFFFFF  }
0xcf: {  	_ =	shalt  }
tec
execute0_lowered:
.L_overlay_start_1:
0x0: {  	(tag) =	ssettag $0x1  }
0x1: {  	s3 =	rddreg [dreg:$0x0]  }
0x2: {  	s5 =	rddreg [dreg:$0x1]  }
0x3: {  	s7 =	rddreg [dreg:$0x2]  }
0x4: {  	s19 =	rddreg [dreg:$0x3];
	s1 =	srdreg.scid  }
0x5: {  	s15 =	rddreg [dreg:$0x4];
	s0 =	stileid.u32;
	s18 =	sand.u32 $0x1, s1  }
0x6: {  	s17 =	rddreg [dreg:$0x5];
	s4 =	sshll.u32 s0, $0xA;
	s6 =	sshll.u32 s18, $0x9  }
0x7: {  	s2 =	simm.s32 $0x0;
	s1 =	rddreg [dreg:$0x6];
	s16 =	sor.u32 s6, s4  }
0x8: {  	[smem:$0x7FF] =	sst s2;
	s8 =	sshrl.u32 s16, $0x3  }
0x9: {  	_ =	strace $0x80000047;
	s4 =	sadd.s32 s3, s8;
	s3 =	simm.s32 $0x4  }
0xa: {  	[tilespmem:s2], [sflag:$0x4] =	stream.linear.gather [hbm4b:s4+s2], $0x200, $0x38;
	[tilespmem:$0xC600] =	vst v63  }
0xb: {  	_ =	swait.ge [sflag:s3], $0x200  }
0xc: {  	[sflag:s3] =	ssyncset.done $0x0  }
0xd: {  	s6 =	simm.s32 $0x200;
	s5 =	sadd.s32 s5, s8;
	[sflag:s3] =	ssyncadd.s32 $0xFFFFFE00  }
0xe: {  	[tilespmem:s6], [sflag:$0x4] =	stream.linear.gather [hbm4b:s5+s2], $0x200, $0x38;
	[tilespmem:$0xC600] =	vst v63  }
0xf: {  	_ =	swait.ge [sflag:s3], $0x200  }
0x10: {  	[sflag:s3] =	ssyncset.done $0x0  }
0x11: {  	s7 =	sadd.s32 s7, s8;
	s8 =	simm.s32 $0x400;
	[sflag:s3] =	ssyncadd.s32 $0xFFFFFE00  }
0x12: {  	[tilespmem:s8], [sflag:$0x4] =	stream.linear.gather [hbm4b:s7+s2], $0x200, $0x38;
	[tilespmem:$0xC600] =	vst v63  }
0x13: {  	_ =	swait.ge [sflag:s3], $0x200  }
0x14: {  	[sflag:s3] =	ssyncset.done $0x0  }
0x15: {  	s10 =	simm.s32 $0x600;
	s9 =	sadd.s32 $0xF43000, s19;
	[sflag:s3] =	ssyncadd.s32 $0xFFFFFE00  }
0x16: {  	[tilespmem:s10], [sflag:$0x1] =	stream.indirect.gather [hbm4b:s9+s6], $0x20, s2, s6, $0xb8;
	[tilespmem:$0xC600] =	vst v63  }
0x17: {  	s12 =	simm.s32 $0x4600;
	s11 =	sadd.s32 $0x1313A00, s19  }
0x18: {  	[tilespmem:s12], [sflag:$0x2] =	stream.indirect.gather [hbm4b:s11+s6], $0x20, s6, s6, $0xb8;
	[tilespmem:$0xC600] =	vst v63  }
0x19: {  	s13 =	simm.s32 $0x8600;
	s14 =	simm.s32 $0x1  }
0x1a: {  	[tilespmem:s13], [sflag:$0x3] =	stream.indirect.gather [hbm4b:s11+s6], $0x20, s8, s6, $0xb8;
	[tilespmem:$0xC600] =	vst v63  }
0x1b: {  	_ =	swait.ge [sflag:s14], $0x4000  }
0x1c: {  	s20 =	sshll.u32 s16, $0x2;
	[sflag:s14] =	ssyncset.done $0x0  }
0x1d: {  	s15 =	sadd.s32 s15, s20;
	[sflag:s14] =	ssyncadd.s32 $0xFFFFC000  }
0x1e: {  	[hbm4b:s15+s2] =	stream.linear.scatter [tilespmem:s10], [sflag:$0x4], $0x4000, $0x38;
	[tilespmem:$0xC600] =	vst v63  }
0x1f: {  	_ =	swait.ge [sflag:s3], $0x4000  }
0x20: {  	[sflag:s3] =	ssyncset.done $0x0  }
0x21: {  	s16 =	simm.s32 $0x2;
	[sflag:s3] =	ssyncadd.s32 $0xFFFFC000  }
0x22: {  	_ =	swait.ge [sflag:s16], $0x4000  }
0x23: {  	[sflag:s16] =	ssyncset.done $0x0  }
0x24: {  	s21 =	ssub.s32 $0x2, s18;
	s17 =	sadd.s32 s17, s20;
	[sflag:s16] =	ssyncadd.s32 $0xFFFFC000  }
0x25: {  	[hbm4b:s17+s2] =	stream.linear.scatter [tilespmem:s12], [sflag:$0x4], $0x4000, $0x38;
	[tilespmem:$0xC600] =	vst v63  }
0x26: {  	s22 =	sshrl.u32 s21, $0x1;
	_ =	swait.ge [sflag:s3], $0x4000  }
0x27: {  	s18 =	simm.s32 $0x3;
	s31 =	ssub.s32 s21, s22;
	[sflag:s3] =	ssyncset.done $0x0  }
0x28: {  	s19 =	sadd.s32 s20, s19;
	s20 =	smax.u32 s31, $0x1;
	[sflag:s3] =	ssyncadd.s32 $0xFFFFC000  }
0x29: {  	p0 =	sne.s32 s20, $0x1;
	_ =	swait.ge [sflag:s18], $0x4000  }
.Ltmp0:
0x2a: {  	[sflag:s18] =	ssyncset.done $0x0;
	(pc) =	sbr.rel @!p0 .LBB2_2-.Ltmp0, $4  }
0x2b: {  	s19 =	sadd.s32 $0xC00, s19;
	[sflag:s18] =	ssyncadd.s32 $0xFFFFC000  }
0x2c: {  	[hbm4b:s19+s2] =	stream.linear.scatter [tilespmem:s13], [sflag:$0x4], $0x4000, $0x38;
	[tilespmem:$0xC600] =	vst v63  }
0x2d: {  	_ =	swait.ge [sflag:s3], $0x4000  }
0x2e: {  	s20 =	sadd.s32 $0xFFFFFFFF, s20;
	[sflag:s3] =	ssyncset.done $0x0  }
.LBB2_1:
0x2f: {  	p0 =	sne.s32 s20, $0x1;
	s20 =	sadd.s32 $0xFFFFFFFF, s20;
	[sflag:s3] =	ssyncadd.s32 $0xFFFFC000  }
0x30: {  	[tilespmem:s2], [sflag:$0x4] =	stream.linear.gather [hbm4b:s4+s2], $0x200, $0x38;
	[tilespmem:$0xC600] =	vst v63  }
0x31: {  	_ =	swait.ge [sflag:s3], $0x200  }
0x32: {  	[sflag:s3] =	ssyncset.done $0x0  }
0x33: {  	[sflag:s3] =	ssyncadd.s32 $0xFFFFFE00  }
0x34: {  	[tilespmem:s6], [sflag:$0x4] =	stream.linear.gather [hbm4b:s5+s2], $0x200, $0x38;
	[tilespmem:$0xC600] =	vst v63  }
0x35: {  	_ =	swait.ge [sflag:s3], $0x200  }
0x36: {  	[sflag:s3] =	ssyncset.done $0x0  }
0x37: {  	[sflag:s3] =	ssyncadd.s32 $0xFFFFFE00  }
0x38: {  	[tilespmem:s8], [sflag:$0x4] =	stream.linear.gather [hbm4b:s7+s2], $0x200, $0x38;
	[tilespmem:$0xC600] =	vst v63  }
0x39: {  	_ =	swait.ge [sflag:s3], $0x200  }
0x3a: {  	[sflag:s3] =	ssyncset.done $0x0  }
0x3b: {  	[sflag:s3] =	ssyncadd.s32 $0xFFFFFE00  }
0x3c: {  	[tilespmem:s10], [sflag:$0x1] =	stream.indirect.gather [hbm4b:s9+s6], $0x20, s2, s6, $0xb8;
	[tilespmem:$0xC600] =	vst v63  }
0x3d: {  	_ = 	snop  }
0x3e: {  	[tilespmem:s12], [sflag:$0x2] =	stream.indirect.gather [hbm4b:s11+s6], $0x20, s6, s6, $0xb8;
	[tilespmem:$0xC600] =	vst v63  }
0x3f: {  	_ = 	snop  }
0x40: {  	[tilespmem:s13], [sflag:$0x3] =	stream.indirect.gather [hbm4b:s11+s6], $0x20, s8, s6, $0xb8;
	[tilespmem:$0xC600] =	vst v63  }
0x41: {  	_ =	swait.ge [sflag:s14], $0x4000  }
0x42: {  	[sflag:s14] =	ssyncset.done $0x0  }
0x43: {  	[sflag:s14] =	ssyncadd.s32 $0xFFFFC000  }
0x44: {  	[hbm4b:s15+s2] =	stream.linear.scatter [tilespmem:s10], [sflag:$0x4], $0x4000, $0x38;
	[tilespmem:$0xC600] =	vst v63  }
0x45: {  	_ =	swait.ge [sflag:s3], $0x4000  }
0x46: {  	[sflag:s3] =	ssyncset.done $0x0  }
0x47: {  	[sflag:s3] =	ssyncadd.s32 $0xFFFFC000  }
0x48: {  	_ =	swait.ge [sflag:s16], $0x4000  }
0x49: {  	[sflag:s16] =	ssyncset.done $0x0  }
0x4a: {  	[sflag:s16] =	ssyncadd.s32 $0xFFFFC000  }
0x4b: {  	[hbm4b:s17+s2] =	stream.linear.scatter [tilespmem:s12], [sflag:$0x4], $0x4000, $0x38;
	[tilespmem:$0xC600] =	vst v63  }
0x4c: {  	_ =	swait.ge [sflag:s3], $0x4000  }
0x4d: {  	[sflag:s3] =	ssyncset.done $0x0  }
0x4e: {  	[sflag:s3] =	ssyncadd.s32 $0xFFFFC000  }
0x4f: {  	_ =	swait.ge [sflag:s18], $0x4000  }
.Ltmp1:
0x50: {  	[sflag:s18] =	ssyncset.done $0x0;
	(pc) =	sbr.rel @p0 .LBB2_1-.Ltmp1, $4  }
0x51: {  	[sflag:s18] =	ssyncadd.s32 $0xFFFFC000  }
0x52: {  	[hbm4b:s19+s2] =	stream.linear.scatter [tilespmem:s13], [sflag:$0x4], $0x4000, $0x38;
	[tilespmem:$0xC600] =	vst v63  }
0x53: {  	_ =	swait.ge [sflag:s3], $0x4000  }
0x54: {  	[sflag:s3] =	ssyncset.done $0x0  }
.LBB2_2:
0x55: {  	[sflag:s3] =	ssyncadd.s32 $0xFFFFC000  }
0x56: {  	_ =	sfence.sel $0x180000  }
0x57: {  	[bflag:$0x0] =	sbarrier.arrive $0xFFFF  }
0x58: {  	p0 =	sne.s32 s0, $0x0;
	_ =	strace $0x90000047  }
0x59: {  	s0 =	sadd.s32 @!p0 $0x100000, s1;
	[bflag:$0x2] =	sbarrier.arrive $0xFFFF  }
0x5a: {  	[sflag:s0] =	ssyncadd.tile.s32 @!p0 $0x1;
	_ =	shalt  }
.Lfunc_end2:
_tile_overlayer_lowered:
.L_overlay_start_2:
0x5b: {  	(tag) =	ssettag $0x2  }
0x5c: {  	s0 =	rddreg [dreg:$0x0];
	s2 =	stileid.u32  }
0x5d: {  	s1 =	rddreg [dreg:$0x1];
	p0 =	sne.s32 s2, $0x0  }
0x5e: {  	s3 =	rddreg [dreg:$0x2];
	[bflag:$0x3] =	sbarrier.arrive $0xFFFF;
	s2 =	simm.s32 @!p0 $0x1C04  }
0x5f: {  	[timem:s3], [sflag:s2] =	dma.local @!p0 [hbm:s0], s1  }
0x60: {  	s0 =	simm.s32 @!p0 $0x4  }
0x61: {  	_ =	swait.ge @!p0 [sflag:s0], s1  }
0x62: {  	s1 =	ssub.s32 @!p0 $0x0, s1;
	[sflag:s0] =	ssyncset.done @!p0 $0x0  }
0x63: {  	[sflag:s0] =	ssyncadd.s32 @!p0 s1  }
0x64: {  	[bflag:$0x3] =	sbarrier.arrive $0xFFFF  }
0x65: {  	_ =	shalt  }

</sc_bundles>
